<compile_context>
chip_gen: v7x
topology: tpu7x:2x2x1
jax: 0.10.2.dev20260603
libtpu: 0.0.44.dev20260713+nightly
codegen_flags: <defaults>
</compile_context>

<pallas_src>
import functools

import jax
import jax.numpy as jnp
from jax.experimental import pallas as pl


def _body(pref, suf, opref, osuf, ctx_r, ctxo_r, out, *, rows, cls_blocks, n_ctx, ctx_dim):
    i = pl.program_id(0)
    c = ctx_dim
    k = n_ctx * ctx_dim

    @pl.when(i < cls_blocks)
    def _():
        out[0, :, 0:c] = pref[0]
        out[0, :, c:c + k] = jnp.broadcast_to(ctx_r[0], (rows, k))
        out[0, :, c + k:] = suf[0]

    @pl.when(i >= cls_blocks)
    def _():
        out[0, :, 0:c] = opref[0]
        out[0, :, c:c + k] = jnp.broadcast_to(ctxo_r[0], (rows, k))
        out[0, :, c + k:] = osuf[0]


def kernel(ctx, ctx_ood, token_prefix, token_suffix, ood_token_prefix, ood_token_suffix):
    n_cls = token_prefix.shape[0]
    n_ex = ood_token_prefix.shape[0]
    n_ctx, ctx_dim = ctx.shape
    suf_len = token_suffix.shape[1]
    seq = 1 + n_ctx + suf_len
    row_w = seq * ctx_dim
    suf_w = suf_len * ctx_dim
    ctx_w = n_ctx * ctx_dim

    rows = 20
    cls_blocks = n_cls // rows
    ex_blocks = n_ex // rows
    grid = (cls_blocks + ex_blocks,)

    pref3 = token_prefix.reshape(cls_blocks, rows, ctx_dim)
    suf3 = token_suffix.reshape(cls_blocks, rows, suf_w)
    opref3 = ood_token_prefix.reshape(ex_blocks, rows, ctx_dim)
    osuf3 = ood_token_suffix.reshape(ex_blocks, rows, suf_w)
    ctx3 = ctx.reshape(1, 1, ctx_w)
    ctxo3 = ctx_ood.reshape(1, 1, ctx_w)

    cls_idx = lambda i: (jnp.minimum(i, cls_blocks - 1), 0, 0)
    ood_idx = lambda i: (jnp.maximum(i - cls_blocks, 0), 0, 0)

    out = pl.pallas_call(
        functools.partial(_body, rows=rows, cls_blocks=cls_blocks,
                          n_ctx=n_ctx, ctx_dim=ctx_dim),
        grid=grid,
        in_specs=[
            pl.BlockSpec((1, rows, ctx_dim), cls_idx),
            pl.BlockSpec((1, rows, suf_w), cls_idx),
            pl.BlockSpec((1, rows, ctx_dim), ood_idx),
            pl.BlockSpec((1, rows, suf_w), ood_idx),
            pl.BlockSpec((1, 1, ctx_w), lambda i: (0, 0, 0)),
            pl.BlockSpec((1, 1, ctx_w), lambda i: (0, 0, 0)),
        ],
        out_specs=pl.BlockSpec((1, rows, row_w), lambda i: (i, 0, 0)),
        out_shape=jax.ShapeDtypeStruct((cls_blocks + ex_blocks, rows, row_w), ctx.dtype),
    )(pref3, suf3, opref3, osuf3, ctx3, ctxo3)
    return out.reshape(n_cls + n_ex, seq, ctx_dim)

# --- scband reference (transcript-rebuilt; emitter-appended) ---
"""Pipeline reference for scband-prompt-learner-84335977824790 (READ-ONLY COPY).

The authoritative reference and input builder live on the scoring server;
editing this copy changes nothing except your own understanding.
"""

import jax, jax.numpy as jnp
import numpy as np


def setup_inputs(seed: int = 0) -> dict:
    key = jax.random.key(seed)
    ks = jax.random.split(key, 6)
    n_cls, n_ex, n_ctx, ctx_dim, suf_len = 1000, 100, 16, 512, 60
    return {
        "ctx": jax.random.normal(ks[0], (n_ctx, ctx_dim), dtype=jnp.float32) * 0.02,
        "ctx_ood": jax.random.normal(ks[1], (n_ctx, ctx_dim), dtype=jnp.float32) * 0.02,
        "token_prefix": jax.random.normal(ks[2], (n_cls, 1, ctx_dim), dtype=jnp.float32),
        "token_suffix": jax.random.normal(ks[3], (n_cls, suf_len, ctx_dim), dtype=jnp.float32),
        "ood_token_prefix": jax.random.normal(ks[4], (n_ex, 1, ctx_dim), dtype=jnp.float32),
        "ood_token_suffix": jax.random.normal(ks[5], (n_ex, suf_len, ctx_dim), dtype=jnp.float32),
    }


def reference(ctx, ctx_ood, token_prefix, token_suffix, ood_token_prefix, ood_token_suffix):
    # PromptLearner.forward, class_token_position == 'end', dis_aware (2-D ctx) path
    n_cls = token_prefix.shape[0]
    n_ex = ood_token_prefix.shape[0]
    # ctx.dim() == 2 -> unsqueeze(0).expand(n_cls, -1, -1)
    ctx_e = jnp.broadcast_to(ctx[None, :, :], (n_cls, ctx.shape[0], ctx.shape[1]))
    ctx_ood_e = jnp.broadcast_to(ctx_ood[None, :, :], (n_ex, ctx_ood.shape[0], ctx_ood.shape[1]))
    prompts = jnp.concatenate([token_prefix, ctx_e, token_suffix], axis=1)
    ood_prompts = jnp.concatenate([ood_token_prefix, ctx_ood_e, ood_token_suffix], axis=1)
    prompts = jnp.concatenate([prompts, ood_prompts], axis=0)
    return prompts

if __name__ == "__main__":
    import jax
    _d = setup_inputs()
    print(jax.jit(kernel)(*tuple(_d.values())))

</pallas_src>

<mosaic_0001>
module attributes {stable_mosaic.version = 14 : i64} {
  func.func @_body(%arg0: i32, %arg1: memref<1x20x512xf32, #tpu.memory_space<vmem>>, %arg2: memref<1x20x30720xf32, #tpu.memory_space<vmem>>, %arg3: memref<1x20x512xf32, #tpu.memory_space<vmem>>, %arg4: memref<1x20x30720xf32, #tpu.memory_space<vmem>>, %arg5: memref<1x1x8192xf32, #tpu.memory_space<vmem>>, %arg6: memref<1x1x8192xf32, #tpu.memory_space<vmem>>, %arg7: memref<1x20x39424xf32, #tpu.memory_space<vmem>>) attributes {dimension_semantics = [#tpu.dimension_semantics<arbitrary>], iteration_bounds = array<i64: 55>, scalar_prefetch = 0 : i64, scratch_operands = 0 : i64, tpu.core_type = #tpu.core_type<tc>, window_params = [{transform_indices = @transform_0, window_bounds = array<i64: 1, 20, 512>}, {transform_indices = @transform_1, window_bounds = array<i64: 1, 20, 30720>}, {transform_indices = @transform_2, window_bounds = array<i64: 1, 20, 512>}, {transform_indices = @transform_3, window_bounds = array<i64: 1, 20, 30720>}, {pipeline_mode = #tpu.pipeline_mode<synchronous>, transform_indices = @transform_4, window_bounds = array<i64: 1, 1, 8192>}, {pipeline_mode = #tpu.pipeline_mode<synchronous>, transform_indices = @transform_5, window_bounds = array<i64: 1, 1, 8192>}, {transform_indices = @transform_6, window_bounds = array<i64: 1, 20, 39424>}]} {
    %lt3A = arith.constant 50 : i32
    %lt3A_0 = arith.cmpi slt, %arg0, %lt3A : i32
    %convert_element_type3A = arith.extui %lt3A_0 : i1 to i32
    %cond3A = arith.constant 0 : i32
    %cond3A_1 = arith.cmpi ne, %convert_element_type3A, %cond3A : i32
    scf.if %cond3A_1 {
      %get3A = arith.constant 0 : index
      %get3A_6 = arith.constant 0 : index
      %get3A_7 = arith.constant 0 : index
      %get3A_8 = vector.load %arg1[%get3A, %get3A_6, %get3A_7] : memref<1x20x512xf32, #tpu.memory_space<vmem>>, vector<1x20x512xf32>
      %get3A_9 = vector.shape_cast %get3A_8 : vector<1x20x512xf32> to vector<20x512xf32>
      %swap3A = arith.constant 0 : index
      %swap3A_10 = arith.constant 0 : index
      %swap3A_11 = arith.constant 0 : index
      %swap3A_12 = vector.load %arg7[%swap3A, %swap3A_10, %swap3A_11] : memref<1x20x39424xf32, #tpu.memory_space<vmem>>, vector<1x20x512xf32>
      %swap3A_13 = vector.shape_cast %swap3A_12 : vector<1x20x512xf32> to vector<20x512xf32>
      %swap3A_14 = vector.shape_cast %get3A_9 : vector<20x512xf32> to vector<1x20x512xf32>
      tpu.vector_store %arg7[%swap3A, %swap3A_10, %swap3A_11], %swap3A_14 {strides = array<i32>} : memref<1x20x39424xf32, #tpu.memory_space<vmem>>, vector<1x20x512xf32>,
      %get3A_15 = arith.constant 0 : index
      %get3A_16 = arith.constant 0 : index
      %get3A_17 = arith.constant 0 : index
      %get3A_18 = vector.load %arg5[%get3A_15, %get3A_16, %get3A_17] : memref<1x1x8192xf32, #tpu.memory_space<vmem>>, vector<1x1x8192xf32>
      %get3A_19 = vector.shape_cast %get3A_18 : vector<1x1x8192xf32> to vector<1x8192xf32>
      %broadcast_in_dim3A = vector.shape_cast %get3A_19 : vector<1x8192xf32> to vector<1x8192xf32>
      %broadcast_in_dim3A_20 = vector.broadcast %broadcast_in_dim3A : vector<1x8192xf32> to vector<20x8192xf32>
      %swap3A_21 = arith.constant 0 : index
      %swap3A_22 = arith.constant 0 : index
      %swap3A_23 = arith.constant 512 : index
      %swap3A_24 = vector.load %arg7[%swap3A_21, %swap3A_22, %swap3A_23] : memref<1x20x39424xf32, #tpu.memory_space<vmem>>, vector<1x20x8192xf32>
      %swap3A_25 = vector.shape_cast %swap3A_24 : vector<1x20x8192xf32> to vector<20x8192xf32>
      %swap3A_26 = vector.shape_cast %broadcast_in_dim3A_20 : vector<20x8192xf32> to vector<1x20x8192xf32>
      tpu.vector_store %arg7[%swap3A_21, %swap3A_22, %swap3A_23], %swap3A_26 {strides = array<i32>} : memref<1x20x39424xf32, #tpu.memory_space<vmem>>, vector<1x20x8192xf32>,
      %get3A_27 = arith.constant 0 : index
      %get3A_28 = arith.constant 0 : index
      %get3A_29 = arith.constant 0 : index
      %get3A_30 = vector.load %arg2[%get3A_27, %get3A_28, %get3A_29] : memref<1x20x30720xf32, #tpu.memory_space<vmem>>, vector<1x20x30720xf32>
      %get3A_31 = vector.shape_cast %get3A_30 : vector<1x20x30720xf32> to vector<20x30720xf32>
      %swap3A_32 = arith.constant 0 : index
      %swap3A_33 = arith.constant 0 : index
      %swap3A_34 = arith.constant 8704 : index
      %swap3A_35 = vector.load %arg7[%swap3A_32, %swap3A_33, %swap3A_34] : memref<1x20x39424xf32, #tpu.memory_space<vmem>>, vector<1x20x30720xf32>
      %swap3A_36 = vector.shape_cast %swap3A_35 : vector<1x20x30720xf32> to vector<20x30720xf32>
      %swap3A_37 = vector.shape_cast %get3A_31 : vector<20x30720xf32> to vector<1x20x30720xf32>
      tpu.vector_store %arg7[%swap3A_32, %swap3A_33, %swap3A_34], %swap3A_37 {strides = array<i32>} : memref<1x20x39424xf32, #tpu.memory_space<vmem>>, vector<1x20x30720xf32>,
    } else {
    }
    %ge3A = arith.constant 50 : i32
    %ge3A_2 = arith.cmpi sge, %arg0, %ge3A : i32
    %convert_element_type3A_3 = arith.extui %ge3A_2 : i1 to i32
    %cond3A_4 = arith.constant 0 : i32
    %cond3A_5 = arith.cmpi ne, %convert_element_type3A_3, %cond3A_4 : i32
    scf.if %cond3A_5 {
      %get3A = arith.constant 0 : index
      %get3A_6 = arith.constant 0 : index
      %get3A_7 = arith.constant 0 : index
      %get3A_8 = vector.load %arg3[%get3A, %get3A_6, %get3A_7] : memref<1x20x512xf32, #tpu.memory_space<vmem>>, vector<1x20x512xf32>
      %get3A_9 = vector.shape_cast %get3A_8 : vector<1x20x512xf32> to vector<20x512xf32>
      %swap3A = arith.constant 0 : index
      %swap3A_10 = arith.constant 0 : index
      %swap3A_11 = arith.constant 0 : index
      %swap3A_12 = vector.load %arg7[%swap3A, %swap3A_10, %swap3A_11] : memref<1x20x39424xf32, #tpu.memory_space<vmem>>, vector<1x20x512xf32>
      %swap3A_13 = vector.shape_cast %swap3A_12 : vector<1x20x512xf32> to vector<20x512xf32>
      %swap3A_14 = vector.shape_cast %get3A_9 : vector<20x512xf32> to vector<1x20x512xf32>
      tpu.vector_store %arg7[%swap3A, %swap3A_10, %swap3A_11], %swap3A_14 {strides = array<i32>} : memref<1x20x39424xf32, #tpu.memory_space<vmem>>, vector<1x20x512xf32>,
      %get3A_15 = arith.constant 0 : index
      %get3A_16 = arith.constant 0 : index
      %get3A_17 = arith.constant 0 : index
      %get3A_18 = vector.load %arg6[%get3A_15, %get3A_16, %get3A_17] : memref<1x1x8192xf32, #tpu.memory_space<vmem>>, vector<1x1x8192xf32>
      %get3A_19 = vector.shape_cast %get3A_18 : vector<1x1x8192xf32> to vector<1x8192xf32>
      %broadcast_in_dim3A = vector.shape_cast %get3A_19 : vector<1x8192xf32> to vector<1x8192xf32>
      %broadcast_in_dim3A_20 = vector.broadcast %broadcast_in_dim3A : vector<1x8192xf32> to vector<20x8192xf32>
      %swap3A_21 = arith.constant 0 : index
      %swap3A_22 = arith.constant 0 : index
      %swap3A_23 = arith.constant 512 : index
      %swap3A_24 = vector.load %arg7[%swap3A_21, %swap3A_22, %swap3A_23] : memref<1x20x39424xf32, #tpu.memory_space<vmem>>, vector<1x20x8192xf32>
      %swap3A_25 = vector.shape_cast %swap3A_24 : vector<1x20x8192xf32> to vector<20x8192xf32>
      %swap3A_26 = vector.shape_cast %broadcast_in_dim3A_20 : vector<20x8192xf32> to vector<1x20x8192xf32>
      tpu.vector_store %arg7[%swap3A_21, %swap3A_22, %swap3A_23], %swap3A_26 {strides = array<i32>} : memref<1x20x39424xf32, #tpu.memory_space<vmem>>, vector<1x20x8192xf32>,
      %get3A_27 = arith.constant 0 : index
      %get3A_28 = arith.constant 0 : index
      %get3A_29 = arith.constant 0 : index
      %get3A_30 = vector.load %arg4[%get3A_27, %get3A_28, %get3A_29] : memref<1x20x30720xf32, #tpu.memory_space<vmem>>, vector<1x20x30720xf32>
      %get3A_31 = vector.shape_cast %get3A_30 : vector<1x20x30720xf32> to vector<20x30720xf32>
      %swap3A_32 = arith.constant 0 : index
      %swap3A_33 = arith.constant 0 : index
      %swap3A_34 = arith.constant 8704 : index
      %swap3A_35 = vector.load %arg7[%swap3A_32, %swap3A_33, %swap3A_34] : memref<1x20x39424xf32, #tpu.memory_space<vmem>>, vector<1x20x30720xf32>
      %swap3A_36 = vector.shape_cast %swap3A_35 : vector<1x20x30720xf32> to vector<20x30720xf32>
      %swap3A_37 = vector.shape_cast %get3A_31 : vector<20x30720xf32> to vector<1x20x30720xf32>
      tpu.vector_store %arg7[%swap3A_32, %swap3A_33, %swap3A_34], %swap3A_37 {strides = array<i32>} : memref<1x20x39424xf32, #tpu.memory_space<vmem>>, vector<1x20x30720xf32>,
    } else {
    }
    return
  }
  func.func @transform_0(%arg0: i32) -> (i32, i32, i32) {
    %min3A = arith.constant 49 : i32
    %min3A_0 = arith.minsi %arg0, %min3A : i32
    %c0_i32 = arith.constant 0 : i32
    %c0_i32_1 = arith.constant 0 : i32
    %c0_i32_2 = arith.constant 0 : i32
    return %min3A_0, %c0_i32, %c0_i32_1 : i32, i32, i32
  }
  func.func @transform_1(%arg0: i32) -> (i32, i32, i32) {
    %min3A = arith.constant 49 : i32
    %min3A_0 = arith.minsi %arg0, %min3A : i32
    %c0_i32 = arith.constant 0 : i32
    %c0_i32_1 = arith.constant 0 : i32
    %c0_i32_2 = arith.constant 0 : i32
    return %min3A_0, %c0_i32, %c0_i32_1 : i32, i32, i32
  }
  func.func @transform_2(%arg0: i32) -> (i32, i32, i32) {
    %sub3A = arith.constant 50 : i32
    %sub3A_0 = arith.subi %arg0, %sub3A : i32
    %max3A = arith.constant 0 : i32
    %max3A_1 = arith.maxsi %sub3A_0, %max3A : i32
    %c0_i32 = arith.constant 0 : i32
    %c0_i32_2 = arith.constant 0 : i32
    %c0_i32_3 = arith.constant 0 : i32
    return %max3A_1, %c0_i32, %c0_i32_2 : i32, i32, i32
  }
  func.func @transform_3(%arg0: i32) -> (i32, i32, i32) {
    %sub3A = arith.constant 50 : i32
    %sub3A_0 = arith.subi %arg0, %sub3A : i32
    %max3A = arith.constant 0 : i32
    %max3A_1 = arith.maxsi %sub3A_0, %max3A : i32
    %c0_i32 = arith.constant 0 : i32
    %c0_i32_2 = arith.constant 0 : i32
    %c0_i32_3 = arith.constant 0 : i32
    return %max3A_1, %c0_i32, %c0_i32_2 : i32, i32, i32
  }
  func.func @transform_4(%arg0: i32) -> (i32, i32, i32) {
    %c0_i32 = arith.constant 0 : i32
    %c0_i32_0 = arith.constant 0 : i32
    %c0_i32_1 = arith.constant 0 : i32
    %c0_i32_2 = arith.constant 0 : i32
    return %c0_i32, %c0_i32_0, %c0_i32_1 : i32, i32, i32
  }
  func.func @transform_5(%arg0: i32) -> (i32, i32, i32) {
    %c0_i32 = arith.constant 0 : i32
    %c0_i32_0 = arith.constant 0 : i32
    %c0_i32_1 = arith.constant 0 : i32
    %c0_i32_2 = arith.constant 0 : i32
    return %c0_i32, %c0_i32_0, %c0_i32_1 : i32, i32, i32
  }
  func.func @transform_6(%arg0: i32) -> (i32, i32, i32) {
    %c0_i32 = arith.constant 0 : i32
    %c0_i32_0 = arith.constant 0 : i32
    %c0_i32_1 = arith.constant 0 : i32
    return %arg0, %c0_i32, %c0_i32_0 : i32, i32, i32
  }
}

</mosaic_0001>

<sc_bundles>
// kernel: sparse-core-data-format-call.cloned.1.call-start
scs
called_computation_lowered:
.L_overlay_start_0:
0x0: {  	s2 =	sld [smem:$0x3FD9]  }
0x1: {  	s3 =	sld [smem:$0x3FFE];
	_ =	sdelay $0x1  }
0x2: {  	s1 =	srdreg.scid  }
0x3: {  	s0 =	sand.u32 $0x1, s1  }
0x4: {  	s18 =	sshll.u32 s0, $0xA;
	s2 =	sadd.s32 s3, s2  }
0x5: {  	s2 =	sadd.s32 s2, s18  }
0x6: {  	[smem:$0x3FC2] =	sst s2  }
0x7: {  	_ = 	snop  }
0x8: {  	s2 =	sld [smem:$0x3FD0];
	(tm) =	ssettm $0x1  }
0x9: {  	s19 =	sld [smem:$0x3FFB];
	_ =	sdelay $0x3  }
0xa: {  	_ =	strace s19  }
0xb: {  	s3 =	sld [smem:$0x3FFC];
	_ =	sdelay $0x3  }
0xc: {  	_ =	strace s3  }
0xd: {  	s3 =	sld [smem:$0x3FFD];
	_ =	sdelay $0x3  }
0xe: {  	_ =	strace s3  }
0xf: {  	_ =	strace $0x8FFFFFFF  }
0x10: {  	s20 =	sld [smem:$0x3FDB];
	_ =	sdelay $0x1  }
0x11: {  	s4 =	simm.s32 $_scs_section_size  }
0x12: {  	s5 =	simm.s32 $_size__tile_overlayer_lowered;
	s6 =	simm.s32 $_tile_overlayer_lowered  }
0x13: {  	s23 =	simm.s32 $0x1BFF;
	s22 =	sshll.u32 s6, $0x1;
	s3 =	sadd.s32 s4, s20  }
0x14: {  	s7 =	simm.s32 $0x0;
	s21 =	sshll.u32 s5, $0x1;
	s5 =	sadd.s32 s22, s3  }
0x15: {  	[timem:s7], [sflag:s23] =	dma.local [hbm:s5], s21  }
0x16: {  	_ =	swait.ge [sflag:s23], s21  }
0x17: {  	s4 =	ssub.s32 $0x0, s21;
	[sflag:s23] =	ssyncset.done $0x0  }
0x18: {  	[sflag:s23] =	ssyncadd.s32 s4;
	_ =	sdelay $0x1  }
0x19: {  	s24 =	simm.s32 $0x1B8B  }
0x1a: {  	_ =	swait.ge [sflag:s24], $0x1  }
0x1b: {  	[sflag:s24] =	ssyncset.done $0x0  }
0x1c: {  	s26 =	simm.s32 $0x1B8E;
	s25 =	sld [smem:$0x3FFE];
	[sflag:s24] =	ssyncadd.s32 $0xFFFFFFFF  }
0x1d: {  	s27 =	simm.s32 $execute0_lowered;
	[smem:$0x3FD2] =	sst s26  }
0x1e: {  	s5 =	sshll.u32 s27, $0x1;
	_ =	strace $0x80000046;
	[dreg:$0x1] =	wrdreg $0xFFFFFFFF  }
0x1f: {  	s28 =	simm.s32 $_size_execute0_lowered;
	s3 =	sadd.s32 s3, s5;
	[dreg:$0x0] =	wrdreg $0x0  }
0x20: {  	s5 =	sshll.u32 s28, $0x1;
	[dreg:$0x2] =	wrdreg s3  }
0x21: {  	[dreg:$0x3] =	wrdreg s5  }
0x22: {  	[dreg:$0x4] =	wrdreg $0xC0  }
0x23: {  	_ =	task [dreg:s7], $0x5FFFF  }
0x24: {  	[dreg:$0x1] =	wrdreg $0xFFFFFFFF  }
0x25: {  	[dreg:$0x0] =	wrdreg $0x60  }
0x26: {  	[dreg:$0x2] =	wrdreg s25  }
0x27: {  	[dreg:$0x3] =	wrdreg s2  }
0x28: {  	[dreg:$0x4] =	wrdreg $0x9  }
0x29: {  	_ =	task.clear_ibuf [dreg:s7], $0x5FFFF;
	_ =	strace $0x90000046  }
0x2a: {  	s29 =	simm.s32 $0x9;
	_ =	strace $0x80000048  }
0x2b: {  	_ =	swait.ge [sflag:s29], $0x1  }
0x2c: {  	[sflag:s29] =	ssyncadd.s32 $0xFFFFFFFF  }
0x2d: {  	_ =	strace $0x90000048  }
0x2e: {  	_ =	sfence  }
0x2f: {  	s30 =	sld [smem:$0x0];
	_ =	sdelay $0x2  }
0x30: {  	s31 =	sshll.u32 s1, $0xD;
	s1 =	sshrl.u32 s1, $0x2  }
0x31: {  	s3 =	sand.u32 $0x4000, s31;
	s1 =	sadd.s32 s1, s30  }
0x32: {  	s0 =	sor.u32 s3, s0;
	s1 =	sshll.u32 s1, $0x11  }
0x33: {  	s0 =	sor.u32 s1, s0  }
0x34: {  	s0 =	sadd.s32 $0x8F2B, s0  }
0x35: {  	[sflag:s0] =	ssyncadd.remote.s32 $0x1  }
0x36: {  	_ =	sfence.sel $0xFFFF  }
0x37: {  	[dreg:$0x0] =	wrdreg $0xFFFFFFFF;
	(pc) =	sbr.abs _section_cstart, $3  }
0x38: {  	[dreg:$0x1] =	wrdreg $0xFFFFFFFF  }
0x39: {  	_ =	task.clear_ibuf [dreg:s7], $0x2FFFF;
	_ =	strace $0x9FFFFFFF  }
0x3a: {  	(tm) =	ssettm $0x7FFFFFFF  }
0x3b: {  	_ =	shalt  }
tec
execute0_lowered:
.L_overlay_start_1:
0x0: {  	(tag) =	ssettag $0x1  }
0x1: {  	s1 =	stileid.u32  }
0x2: {  	s0 =	srdreg.scid;
	s30 =	rddreg [dreg:$0x0]  }
0x3: {  	_ =	strace $0x80000047;
	s8 =	simm.s32 $0x2;
	s19 =	simm.s32 $0x0  }
0x4: {  	s11 =	simm.s32 $0x8A000;
	s12 =	simm.s32 $0x0;
	s18 =	simm.s32 $0x0  }
0x5: {  	s20 =	simm.s32 $0x0;
	s2 =	sshll.u32 s1, $0x3;
	s0 =	sshll.u32 s0, $0x8  }
0x6: {  	s13 =	simm.s32 $0x0;
	s3 =	sand.u32 $0x100, s0;
	s31 =	ssub.s32 $0x448, s2  }
0x7: {  	s14 =	simm.s32 $0x0;
	s0 =	sshrl.u32 s31, $0x7;
	s4 =	ssub.s32 $0x200, s3  }
0x8: {  	s15 =	simm.s32 $0x0;
	s5 =	sshrl.u32 s4, $0x8;
	s0 =	smul.u32 $0xA, s0  }
.Ltmp0:
0x9: {  	s4 =	sshrl.u32 s4, $0x9;
	s6 =	sand.u32 $0x1, s5;
	(pc) =	sbr.rel .LBB1_1-.Ltmp0, $4  }
0xa: {  	s17 =	simm.s32 $0x0;
	s4 =	sadd.s32 s4, s6;
	s0 =	sadd.s32 $0xA, s0  }
0xb: {  	s27 =	simm.s32 $0x0;
	s5 =	simm.s32 $0x1;
	s6 =	smul.u32 s0, s4  }
0xc: {  	s7 =	sadd.s32 $0x634400, s30;
	s16 =	smov.u32 s2;
	[sflag:s5] =	ssyncpa.u1 $0x0  }
0xd: {  	[sflag:s8] =	ssyncpa.u1 $0x0;
	s8 =	sshll.u32 s3, $0x3;
	s9 =	sor.u32 $0x1, s6  }
.LBB1_11:
0xe: {  	s0 =	sshll.u32 s14, $0x9  }
0xf: {  	s1 =	sshll.u32 s20, $0x3;
	s4 =	sshll.u32 s14, $0x7;
	p0 =	sgt.s32 s13, $0x45  }
0x10: {  	s0 =	sand.u32 $0xFFFFF000, s0;
	s20 =	sand.u32 $0x200, s4;
	s4 =	smov.u32 s13  }
0x11: {  	s25 =	smul.u32 $0x11400, s13;
	s0 =	sor.u32 s0, s1;
	s4 =	simm.s32 @!p0 $0x45  }
0x12: {  	p0 =	sgt.s32 s14, $0x448;
	s1 =	smov.u32 s14;
	s0 =	sor.u32 s20, s0  }
0x13: {  	s4 =	sadd.s32 s22, s4;
	s1 =	simm.s32 @!p0 $0x448;
	s0 =	sshrl.u32 s0, $0x9  }
0x14: {  	s1 =	sadd.s32 s21, s1;
	s22 =	sadd.s32 $0xFFFFFFBB, s4;
	s4 =	ssub.s32 $0x4D, s4  }
0x15: {  	s10 =	smulhi.u32 $0x3B5CC1, s0;
	p0 =	sgt.s32 s22, $0x7;
	s1 =	sadd.s32 $0xFFFFFBB8, s1  }
0x16: {  	s26 =	sshll.u32 s14, $0x4;
	s4 =	simm.s32 @p0 $0x0;
	s24 =	sshll.u32 s1, $0x8  }
0x17: {  	p0 =	sgt.s32 s1, $0x7;
	s10 =	smul.u32 $0x450, s10;
	s1 =	ssub.s32 $0x800, s24  }
0x18: {  	s29 =	rddreg [dreg:$0x1];
	s28 =	sand.u32 $0x30, s26;
	s1 =	simm.s32 @p0 $0x0  }
0x19: {  	s0 =	ssub.s32 s0, s10;
	s1 =	smul.u32 s4, s1;
	s10 =	sadd.s32 s29, s25  }
0x1a: {  	s30 =	sor.u32 $0x8000, s23;
	s0 =	sshll.u32 s0, $0x6;
	s4 =	sadd.s32 s28, s10  }
0x1b: {  	s31 =	simm.s32 $0x800;
	s1 =	sand.u32 $0x3FFFFF00, s1;
	s0 =	sadd.s32 s0, s4  }
0x1c: {  	[hbm4b:s0+s31] =	stream.strided.scatter [tilespmem:s30], [sflag:$0x2], s1, s11, s31, $0x38;
	[tilespmem:$0x10000] =	vst v63  }
.LBB1_12:
0x1d: {  	p0 =	slt.u32 s17, $0x2  }
0x1e: {  	p1 =	sgt.s32 @!p0 s19, $0x45  }
0x1f: {  	s0 =	smov.u32 s19;
	s4 =	smov.u32 s18;
	p1 =	por !p1, p0  }
0x20: {  	s1 =	sshra.s32 @!p0 s19, $0x1F;
	s0 =	simm.s32 @p1 $0x45;
	p1 =	sgt.s32 @!p0 s18, $0x448  }
0x21: {  	s10 =	sshra.s32 @!p0 s18, $0x1F;
	s1 =	sand.u32 @!p0 s1, s19;
	p1 =	por !p1, p0  }
0x22: {  	s0 =	ssub.s32 @!p0 s0, s1;
	s1 =	sand.u32 @!p0 s10, s18;
	s4 =	simm.s32 @p1 $0x448  }
0x23: {  	s1 =	ssub.s32 @!p0 s4, s1  }
0x24: {  	s10 =	sadd.s32 @!p0 $0xFFFFFFBB, s0;
	s0 =	ssub.s32 @!p0 $0x4D, s0;
	s1 =	sadd.s32 @!p0 $0xFFFFFBB8, s1  }
0x25: {  	p1 =	sgt.s32 @!p0 s10, $0x7;
	p2 =	sgt.s32 @!p0 s1, $0x7;
	s1 =	sshll.u32 @!p0 s1, $0x8  }
0x26: {  	p1 =	por !p1, p0;
	s1 =	ssub.s32 @!p0 $0x800, s1;
	p2 =	por !p2, p0  }
0x27: {  	s0 =	simm.s32 @!p1 $0x0;
	s1 =	simm.s32 @!p2 $0x0  }
0x28: {  	s0 =	smul.u32 @!p0 s0, s1;
	s1 =	sadd.s32 $0x8, s15  }
0x29: {  	s21 =	smov.u32 s16;
	s10 =	sadd.s32 $0x80, s16;
	p1 =	sgt.s32 s1, $0x4C  }
0x2a: {  	s21 =	smov.u32 @p1 s10  }
0x2b: {  	s1 =	simm.s32 @p1 $0x0;
	p1 =	sgt.s32 s21, $0x44B  }
0x2c: {  	s12 =	sadd.s32 $0x4000, s12;
	s21 =	smov.u32 @p1 s2;
	p1 =	sne.s32 s17, s9  }
.Ltmp1:
0x2d: {  	s20 =	smov.u32 s3;
	s19 =	smov.u32 s13;
	(pc) =	sbr.rel @!p1 .LBB1_13-.Ltmp1, $4  }
0x2e: {  	s13 =	smov.u32 s15;
	s4 =	simm.s32 @!p0 $0x2;
	s0 =	sand.u32 @!p0 $0x3FFFFF00, s0  }
0x2f: {  	s18 =	smov.u32 s14;
	s14 =	smov.u32 s16;
	_ =	swait.ge @!p0 [sflag:s4], s0  }
0x30: {  	s0 =	ssub.s32 @!p0 $0x0, s0;
	s15 =	smov.u32 s1;
	[sflag:s4] =	ssyncset.done @!p0 $0x0  }
0x31: {  	s17 =	sadd.s32 $0x1, s17;
	[sflag:s4] =	ssyncadd.s32 @!p0 s0;
	s16 =	smov.u32 s21  }
.LBB1_1:
0x32: {  	p0 =	sge.u32 s17, s6;
	s10 =	smov.u32 s16;
	s31 =	sadd.s32 $0xFFFFFFFF, s17  }
0x33: {  	s0 =	sshll.u32 @!p0 s15, $0x9;
	s1 =	sshll.u32 @!p0 s15, $0x7;
	p1 =	sgt.s32 @!p0 s16, $0x444  }
0x34: {  	p2 =	sgt.s32 @!p0 s15, $0x48;
	s4 =	sshra.s32 @!p0 s15, $0x1F;
	s21 =	sshra.s32 @!p0 s16, $0x1F  }
0x35: {  	s0 =	sand.u32 @!p0 $0xFFFFF000, s0;
	s1 =	sand.u32 @!p0 $0x200, s1;
	p1 =	por !p1, p0  }
0x36: {  	p2 =	por !p2, p0;
	s21 =	sand.u32 @!p0 s21, s16;
	s0 =	sor.u32 @!p0 s8, s0  }
0x37: {  	s10 =	simm.s32 @p1 $0x444;
	s0 =	sor.u32 @!p0 s1, s0;
	s1 =	smov.u32 s15  }
0x38: {  	s4 =	sand.u32 @!p0 s4, s15;
	s10 =	ssub.s32 @!p0 s10, s21;
	s1 =	simm.s32 @p2 $0x48  }
0x39: {  	s0 =	sshrl.u32 @!p0 s0, $0x9;
	s10 =	sadd.s32 @!p0 $0xFFFFFBBC, s10;
	s1 =	ssub.s32 @!p0 s1, s4  }
0x3a: {  	s4 =	smulhi.u32 @!p0 $0x3333334, s0;
	p2 =	sgt.s32 @!p0 s10, $0x7;
	s21 =	sadd.s32 @!p0 $0xFFFFFFB8, s1  }
0x3b: {  	s10 =	sshll.u32 @!p0 s10, $0x8;
	s1 =	ssub.s32 @!p0 $0x50, s1;
	p1 =	sgt.s32 @!p0 s21, $0x7  }
0x3c: {  	s10 =	ssub.s32 @!p0 $0x800, s10;
	s4 =	smul.u32 @!p0 $0x50, s4;
	p1 =	por !p1, p0  }
0x3d: {  	s21 =	sxor.u32 @!p0 $0xFFFFFFFF, s17;
	s1 =	simm.s32 @!p1 $0x0;
	p1 =	por !p2, p0  }
0x3e: {  	s0 =	ssub.s32 @!p0 s0, s4;
	s4 =	smul.u32 @!p0 $0x1400, s16;
	s10 =	simm.s32 @!p1 $0x0  }
0x3f: {  	s21 =	sshll.u32 @!p0 s21, $0xE;
	s1 =	smul.u32 @!p0 s1, s10;
	s10 =	sshll.u32 @!p0 s15, $0x4  }
0x40: {  	s21 =	sand.u32 @!p0 $0x4000, s21;
	s4 =	sadd.s32 @!p0 s7, s4;
	s10 =	sand.u32 @!p0 $0x30, s10  }
0x41: {  	s0 =	sshll.u32 @!p0 s0, $0x6;
	s1 =	sand.u32 @!p0 $0x3FFFFF00, s1;
	s4 =	sadd.s32 @!p0 s10, s4  }
0x42: {  	s10 =	simm.s32 @!p0 $0xA000;
	s0 =	sadd.s32 @!p0 s0, s4;
	s4 =	simm.s32 @!p0 $0x800  }
0x43: {  	[tilespmem:s21], [sflag:$0x1] =	stream.strided.gather @!p0 [hbm4b:s0+s4], s1, s10, s4, $0x38;
	[tilespmem:$0x10000] =	vst v63  }
0x44: {  	p0 =	sge.u32 s31, s6  }
.Ltmp2:
0x45: {  	_ = 	snop;
	(pc) =	sbr.rel @p0 .LBB1_12-.Ltmp2, $1  }
0x46: {  	_ =	sdelay $0x3  }
0x47: {  	s0 =	ssub.s32 $0x0, s14;
	s1 =	sshra.s32 s14, $0x1F  }
0x48: {  	p0 =	sgt.s32 s14, $0x444;
	s4 =	smov.u32 s14;
	s25 =	ssub.s32 $0x0, s13  }
0x49: {  	s26 =	sshra.s32 s13, $0x1F;
	s21 =	sand.u32 s0, s1;
	s4 =	simm.s32 @!p0 $0x444  }
0x4a: {  	s10 =	smov.u32 s13;
	p0 =	sgt.s32 s13, $0x48;
	s4 =	sadd.s32 s21, s4  }
0x4b: {  	s22 =	sand.u32 s25, s26;
	s10 =	simm.s32 @!p0 $0x48;
	s28 =	sadd.s32 $0xFFFFFBBC, s4  }
0x4c: {  	s1 =	sadd.s32 s22, s10;
	s0 =	sshll.u32 s28, $0x8  }
0x4d: {  	s4 =	sadd.s32 $0x8, s14;
	p0 =	sgt.s32 s28, $0x7;
	s0 =	ssub.s32 $0x800, s0  }
0x4e: {  	s10 =	sadd.s32 $0x8, s13;
	s0 =	simm.s32 @p0 $0x0;
	p0 =	slt.s32 s4, $0x44C  }
0x4f: {  	s29 =	sadd.s32 $0xFFFFFFB8, s1;
	s4 =	simm.s32 @!p0 $0x44C;
	p0 =	slt.s32 s10, $0x4D  }
0x50: {  	s1 =	ssub.s32 $0x50, s1;
	s24 =	ssub.s32 s4, s14;
	s10 =	simm.s32 @!p0 $0x4D  }
0x51: {  	p1 =	sgt.s32 s29, $0x7;
	s25 =	ssub.s32 s10, s13;
	p0 =	slt.s32 s24, $0x1  }
0x52: {  	s1 =	simm.s32 @p1 $0x0;
	p1 =	slt.s32 @!p0 s25, $0x1  }
0x53: {  	s0 =	smul.u32 s1, s0;
	p0 =	por p0, p1  }
.Ltmp3:
0x54: {  	_ = 	snop;
	(pc) =	sbr.rel @p0 .LBB1_11-.Ltmp3, $4  }
0x55: {  	s0 =	sand.u32 $0x3FFFFF00, s0  }
0x56: {  	_ =	swait.ge [sflag:s5], s0  }
0x57: {  	s31 =	sshll.u32 s17, $0xE;
	s30 =	ssub.s32 $0x0, s0;
	[sflag:s5] =	ssyncset.done $0x0  }
0x58: {  	s23 =	sand.u32 $0x4000, s31;
	[sflag:s5] =	ssyncadd.s32 s30  }
0x59: {  	s0 =	sshll.u32 s12, $0x2  }
0x5a: {  	s0 =	sand.u32 $0x10000, s0  }
0x5b: {  	s0 =	sshrl.u32 s0, $0x2  }
0x5c: {  	s28 =	simm.s32 $0x0;
	s29 =	simm.s32 $0x0;
	s26 =	sadd.s32 $0x8400, s0  }
.LBB1_4:
0x5d: {  	s0 =	sshll.u32 s29, $0xD  }
0x5e: {  	s0 =	sshra.s32 s0, $0x2  }
0x5f: {  	p1 =	sne.s32 s25, $0x1;
	s0 =	sadd.s32 s0, s23  }
.Ltmp4:
0x60: {  	v0 =	vmov s0;
	(pc) =	sbr.rel @!p1 .LBB1_5-.Ltmp4, $3  }
0x61: {  	_ =	sdelay $0x1  }
0x62: {  	s1 =	sand.u32 $0x380, s28;
	s10 =	sadd.s32 $0xFFFFFFFF, s25  }
0x63: {  	p0 =	por $0x0, $0x0;
	s1 =	sadd.s32 s1, s26;
	s0 =	sand.u32 $0x380, s27  }
0x64: {  	_ =	sdelay $0x3  }
0x65: {  	v1 =	vld.idx.msk [tilespmem:v0+s0+$0x470 ss:$0x1], $0xffff  }
0x66: {  	v2 =	vld.idx.msk [tilespmem:v0+s0+$0x0 ss:$0x1], $0xffff  }
0x67: {  	v3 =	vld.idx.msk [tilespmem:v0+s0+$0x10 ss:$0x1], $0xffff  }
0x68: {  	v4 =	vld.idx.msk [tilespmem:v0+s0+$0x20 ss:$0x1], $0xffff  }
0x69: {  	v5 =	vld.idx.msk [tilespmem:v0+s0+$0x30 ss:$0x1], $0xffff  }
0x6a: {  	v6 =	vld.idx.msk [tilespmem:v0+s0+$0x40 ss:$0x1], $0xffff  }
0x6b: {  	v7 =	vld.idx.msk [tilespmem:v0+s0+$0x50 ss:$0x1], $0xffff;
	[tilespmem:s1+$0x70] =	vst v1  }
0x6c: {  	v8 =	vld.idx.msk [tilespmem:v0+s0+$0x60 ss:$0x1], $0xffff;
	[tilespmem:s1+$0xFFFFFC00] =	vst v2  }
0x6d: {  	v9 =	vld.idx.msk [tilespmem:v0+s0+$0x70 ss:$0x1], $0xffff;
	[tilespmem:s1+$0xFFFFFC10] =	vst v3  }
0x6e: {  	v10 =	vld.idx.msk [tilespmem:v0+s0+$0x400 ss:$0x1], $0xffff;
	[tilespmem:s1+$0xFFFFFC20] =	vst v4  }
0x6f: {  	p1 =	sne.s32 s10, $0x1;
	[tilespmem:s1+$0xFFFFFC30] =	vst v5;
	v1 =	vld.idx.msk [tilespmem:v0+s0+$0x410 ss:$0x1], $0xffff  }
.Ltmp5:
0x70: {  	[tilespmem:s1+$0xFFFFFC40] =	vst v6;
	v2 =	vld.idx.msk [tilespmem:v0+s0+$0x420 ss:$0x1], $0xffff;
	(pc) =	sbr.rel @!p1 .LBB1_7-.Ltmp5, $4  }
0x71: {  	[tilespmem:s1+$0xFFFFFC50] =	vst v7;
	v3 =	vld.idx.msk [tilespmem:v0+s0+$0x430 ss:$0x1], $0xffff  }
0x72: {  	[tilespmem:s1+$0xFFFFFC60] =	vst v8;
	v4 =	vld.idx.msk [tilespmem:v0+s0+$0x440 ss:$0x1], $0xffff  }
0x73: {  	s4 =	simm.s32 $0x80;
	s10 =	sadd.s32 $0xFFFFFFFF, s10;
	[tilespmem:s1+$0xFFFFFC70] =	vst v9;
	v5 =	vld.idx.msk [tilespmem:v0+s0+$0x450 ss:$0x1], $0xffff  }
0x74: {  	p0 =	por $0x1, $0x1;
	s30 =	smov.u32 s1;
	s31 =	sand.u32 $0x380, s4;
	[tilespmem:s1+$0x0] =	vst v10;
	v6 =	vld.idx.msk [tilespmem:v0+s0+$0x460 ss:$0x1], $0xffff  }
.LBB1_8:
0x75: {  	p1 =	sne.s32 s10, $0x1;
	v7 =	vld.idx.msk [tilespmem:v0+s31+$0x470 ss:$0x1], $0xffff;
	[tilespmem:s30+$0x10] =	vst v1  }
0x76: {  	v1 =	vld.idx.msk [tilespmem:v0+s31+$0x0 ss:$0x1], $0xffff;
	[tilespmem:s30+$0x20] =	vst v2  }
0x77: {  	v2 =	vld.idx.msk [tilespmem:v0+s31+$0x10 ss:$0x1], $0xffff;
	[tilespmem:s30+$0x30] =	vst v3  }
0x78: {  	v3 =	vld.idx.msk [tilespmem:v0+s31+$0x20 ss:$0x1], $0xffff;
	[tilespmem:s30+$0x40] =	vst v4  }
0x79: {  	v4 =	vld.idx.msk [tilespmem:v0+s31+$0x30 ss:$0x1], $0xffff;
	[tilespmem:s30+$0x50] =	vst v5  }
0x7a: {  	v5 =	vld.idx.msk [tilespmem:v0+s31+$0x40 ss:$0x1], $0xffff;
	[tilespmem:s30+$0x60] =	vst v6;
	s30 =	sadd.s32 $0x800, s30  }
0x7b: {  	v6 =	vld.idx.msk [tilespmem:v0+s31+$0x50 ss:$0x1], $0xffff;
	[tilespmem:s30+$0x70] =	vst v7  }
0x7c: {  	[tilespmem:s30+$0xFFFFFC00] =	vst v1;
	v7 =	vld.idx.msk [tilespmem:v0+s31+$0x60 ss:$0x1], $0xffff  }
0x7d: {  	[tilespmem:s30+$0xFFFFFC10] =	vst v2;
	v8 =	vld.idx.msk [tilespmem:v0+s31+$0x70 ss:$0x1], $0xffff  }
0x7e: {  	[tilespmem:s30+$0xFFFFFC20] =	vst v3;
	v9 =	vld.idx.msk [tilespmem:v0+s31+$0x400 ss:$0x1], $0xffff  }
0x7f: {  	[tilespmem:s30+$0xFFFFFC30] =	vst v4;
	v1 =	vld.idx.msk [tilespmem:v0+s31+$0x410 ss:$0x1], $0xffff  }
.Ltmp6:
0x80: {  	[tilespmem:s30+$0xFFFFFC40] =	vst v5;
	v2 =	vld.idx.msk [tilespmem:v0+s31+$0x420 ss:$0x1], $0xffff;
	(pc) =	sbr.rel @p1 .LBB1_8-.Ltmp6, $4  }
0x81: {  	[tilespmem:s30+$0xFFFFFC50] =	vst v6;
	v3 =	vld.idx.msk [tilespmem:v0+s31+$0x430 ss:$0x1], $0xffff  }
0x82: {  	[tilespmem:s30+$0xFFFFFC60] =	vst v7;
	v4 =	vld.idx.msk [tilespmem:v0+s31+$0x440 ss:$0x1], $0xffff  }
0x83: {  	s4 =	sadd.s32 $0x80, s4;
	[tilespmem:s30+$0xFFFFFC70] =	vst v8;
	v5 =	vld.idx.msk [tilespmem:v0+s31+$0x450 ss:$0x1], $0xffff  }
0x84: {  	s10 =	sadd.s32 $0xFFFFFFFF, s10;
	[tilespmem:s30+$0x0] =	vst v9;
	v6 =	vld.idx.msk [tilespmem:v0+s31+$0x460 ss:$0x1], $0xffff;
	s31 =	sand.u32 $0x380, s4  }
0x85: {  	s0 =	smov.u32 s31  }
.LBB1_10:
0x86: {  	_ =	sdelay $0x2  }
0x87: {  	[tilespmem:s30+$0x10] =	vst @p0 v1  }
0x88: {  	v48 =	vld.idx.msk [tilespmem:v0+s0+$0x470 ss:$0x1], $0xffff;
	[tilespmem:s30+$0x20] =	vst @p0 v2  }
0x89: {  	v49 =	vld.idx.msk [tilespmem:v0+s0+$0x0 ss:$0x1], $0xffff;
	[tilespmem:s30+$0x30] =	vst @p0 v3  }
0x8a: {  	v50 =	vld.idx.msk [tilespmem:v0+s0+$0x10 ss:$0x1], $0xffff;
	[tilespmem:s30+$0x40] =	vst @p0 v4  }
0x8b: {  	v51 =	vld.idx.msk [tilespmem:v0+s0+$0x20 ss:$0x1], $0xffff;
	s4 =	sadd.s32 @p0 $0x800, s30;
	[tilespmem:s30+$0x50] =	vst @p0 v5  }
0x8c: {  	v52 =	vld.idx.msk [tilespmem:v0+s0+$0x30 ss:$0x1], $0xffff;
	s1 =	smov.u32 @p0 s4;
	[tilespmem:s30+$0x60] =	vst @p0 v6  }
0x8d: {  	v53 =	vld.idx.msk [tilespmem:v0+s0+$0x40 ss:$0x1], $0xffff;
	[tilespmem:s1+$0x70] =	vst v48  }
0x8e: {  	v54 =	vld.idx.msk [tilespmem:v0+s0+$0x50 ss:$0x1], $0xffff;
	[tilespmem:s1+$0xFFFFFC00] =	vst v49  }
0x8f: {  	v55 =	vld.idx.msk [tilespmem:v0+s0+$0x60 ss:$0x1], $0xffff;
	[tilespmem:s1+$0xFFFFFC10] =	vst v50  }
0x90: {  	v56 =	vld.idx.msk [tilespmem:v0+s0+$0x70 ss:$0x1], $0xffff;
	[tilespmem:s1+$0xFFFFFC20] =	vst v51  }
0x91: {  	v57 =	vld.idx.msk [tilespmem:v0+s0+$0x400 ss:$0x1], $0xffff;
	[tilespmem:s1+$0xFFFFFC30] =	vst v52  }
0x92: {  	v58 =	vld.idx.msk [tilespmem:v0+s0+$0x410 ss:$0x1], $0xffff;
	[tilespmem:s1+$0xFFFFFC40] =	vst v53  }
0x93: {  	v59 =	vld.idx.msk [tilespmem:v0+s0+$0x420 ss:$0x1], $0xffff;
	[tilespmem:s1+$0xFFFFFC50] =	vst v54  }
0x94: {  	v60 =	vld.idx.msk [tilespmem:v0+s0+$0x430 ss:$0x1], $0xffff;
	[tilespmem:s1+$0xFFFFFC60] =	vst v55  }
0x95: {  	v61 =	vld.idx.msk [tilespmem:v0+s0+$0x440 ss:$0x1], $0xffff;
	[tilespmem:s1+$0xFFFFFC70] =	vst v56  }
0x96: {  	v62 =	vld.idx.msk [tilespmem:v0+s0+$0x450 ss:$0x1], $0xffff;
	s29 =	sadd.s32 $0x1, s29;
	[tilespmem:s1+$0x0] =	vst v57  }
0x97: {  	v63 =	vld.idx.msk [tilespmem:v0+s0+$0x460 ss:$0x1], $0xffff;
	p0 =	sne.s32 s29, s24;
	[tilespmem:s1+$0x10] =	vst v58  }
.Ltmp7:
0x98: {  	[tilespmem:s1+$0x20] =	vst v59;
	(pc) =	sbr.rel @p0 .LBB1_4-.Ltmp7, $4  }
.Ltmp8:
0x99: {  	[tilespmem:s1+$0x30] =	vst v60;
	(pc) =	sbr.rel @!p0 .LBB1_11-.Ltmp8, $4  }
0x9a: {  	[tilespmem:s1+$0x40] =	vst v61  }
0x9b: {  	[tilespmem:s1+$0x50] =	vst v62  }
0x9c: {  	s28 =	sadd.s32 $0x80, s28;
	[tilespmem:s1+$0x60] =	vst v63  }
0x9d: {  	_ = 	snop  }
.LBB1_5:
.Ltmp9:
0x9e: {  	(pc) =	sbr.rel .LBB1_10-.Ltmp9, $2  }
0x9f: {  	_ =	sdelay $0x2  }
0xa0: {  	s30 =	smov.u32 s1  }
.LBB1_7:
.Ltmp10:
0xa1: {  	(pc) =	sbr.rel .LBB1_10-.Ltmp10, $2  }
0xa2: {  	_ =	sdelay $0x2  }
0xa3: {  	s0 =	smov.u32 s31;
	s30 =	smov.u32 s1  }
.LBB1_13:
0xa4: {  	_ =	sfence.sel $0x180000  }
0xa5: {  	s0 =	simm.s32 $0x1;
	[bflag:$0x0] =	sbarrier.arrive $0xFFFF  }
0xa6: {  	s30 =	simm.s32 $0x2;
	[sflag:s0] =	ssyncpa.u1 $0x1  }
0xa7: {  	[sflag:s30] =	ssyncpa.u1 $0x1  }
0xa8: {  	_ =	strace $0x90000047  }
0xa9: {  	s31 =	stileid.u32;
	[bflag:$0x2] =	sbarrier.arrive $0xFFFF  }
0xaa: {  	p0 =	sne.s32 s31, $0x0;
	s0 =	rddreg [dreg:$0x2]  }
0xab: {  	s0 =	sadd.s32 @!p0 $0x100000, s0  }
0xac: {  	[sflag:s0] =	ssyncadd.tile.s32 @!p0 $0x1;
	_ =	shalt  }
.Lfunc_end1:
_tile_overlayer_lowered:
.L_overlay_start_2:
0xad: {  	(tag) =	ssettag $0x2  }
0xae: {  	s0 =	rddreg [dreg:$0x0];
	s2 =	stileid.u32  }
0xaf: {  	s1 =	rddreg [dreg:$0x1];
	p0 =	sne.s32 s2, $0x0  }
0xb0: {  	s3 =	rddreg [dreg:$0x2];
	[bflag:$0x3] =	sbarrier.arrive $0xFFFF;
	s2 =	simm.s32 @!p0 $0x1C01  }
0xb1: {  	[timem:s3], [sflag:s2] =	dma.local @!p0 [hbm:s0], s1  }
0xb2: {  	s0 =	simm.s32 @!p0 $0x1  }
0xb3: {  	_ =	swait.ge @!p0 [sflag:s0], s1  }
0xb4: {  	s1 =	ssub.s32 @!p0 $0x0, s1;
	[sflag:s0] =	ssyncset.done @!p0 $0x0  }
0xb5: {  	[sflag:s0] =	ssyncadd.s32 @!p0 s1  }
0xb6: {  	[bflag:$0x3] =	sbarrier.arrive $0xFFFF  }
0xb7: {  	_ =	shalt  }

</sc_bundles>
